<compile_context>
chip_gen: v7x
topology: tpu7x:2x2x1
jax: 0.10.2.dev20260603
libtpu: 0.0.44.dev20260713+nightly
codegen_flags: <defaults>
</compile_context>

<pallas_src>
import functools

import jax
import jax.numpy as jnp
from jax.experimental import pallas as pl
from jax.experimental.pallas import tpu as pltpu
from jax.experimental.pallas import tpu_sc as plsc

_GATHER_WINDOW = 128
_MLP_BLOCK = 8192


_NUM_UNITS = 32


def _sc_gather(table, idx):
    B = idx.shape[0]
    D = table.shape[1]
    per_unit = B // _NUM_UNITS
    n_win = per_unit // _GATHER_WINDOW
    mesh = plsc.VectorSubcoreMesh(core_axis_name="c", subcore_axis_name="s")

    row_scratch = [
        pltpu.VMEM((_GATHER_WINDOW, D), table.dtype) for _ in range(n_win)
    ]

    @functools.partial(
        pl.kernel,
        out_type=jax.ShapeDtypeStruct((B, D), table.dtype),
        mesh=mesh,
        scratch_types=[pltpu.VMEM((per_unit,), jnp.int32)]
        + row_scratch
        + [pltpu.SemaphoreType.DMA, pltpu.SemaphoreType.DMA],
    )
    def gather_kernel(table_hbm, i_hbm, o_hbm, idx_v, *rest):
        rows = rest[:n_win]
        sem_g, sem_o = rest[n_win], rest[n_win + 1]
        wid = jax.lax.axis_index("s") * 2 + jax.lax.axis_index("c")
        base = wid * per_unit
        pltpu.sync_copy(i_hbm.at[pl.ds(base, per_unit)], idx_v)
        gathers = [
            pltpu.async_copy(
                table_hbm.at[idx_v.at[pl.ds(k * _GATHER_WINDOW, _GATHER_WINDOW)]],
                rows[k],
                sem_g,
            )
            for k in range(n_win)
        ]
        writes = []
        for k in range(n_win):
            gathers[k].wait()
            writes.append(
                pltpu.async_copy(
                    rows[k],
                    o_hbm.at[pl.ds(base + k * _GATHER_WINDOW, _GATHER_WINDOW)],
                    sem_o,
                )
            )
        for w in writes:
            w.wait()

    return gather_kernel(table, idx)


def _mlp_body(h_ref, w1_ref, b1_ref, w2_ref, b2_ref, w3_ref, b3_ref, o_ref):
    h = h_ref[...]
    z = jnp.dot(h, w1_ref[...], preferred_element_type=jnp.float32) + b1_ref[...]
    z = jnp.maximum(z, 0.0)
    z = jnp.dot(z, w2_ref[...], preferred_element_type=jnp.float32) + b2_ref[...]
    z = jnp.maximum(z, 0.0)
    z = jnp.sum(z * w3_ref[...], axis=1) + b3_ref[0, 0]
    o_ref[...] = jax.nn.sigmoid(z).reshape(_MLP_BLOCK // 128, 128)


def _mlp(h, W1, b1, W2, b2, W3, b3):
    B, D = h.shape
    grid = (B // _MLP_BLOCK,)
    out2d = pl.pallas_call(
        _mlp_body,
        grid=grid,
        in_specs=[
            pl.BlockSpec((_MLP_BLOCK, D), lambda i: (i, 0)),
            pl.BlockSpec(W1.shape, lambda i: (0, 0)),
            pl.BlockSpec((1, b1.shape[0]), lambda i: (0, 0)),
            pl.BlockSpec(W2.shape, lambda i: (0, 0)),
            pl.BlockSpec((1, b2.shape[0]), lambda i: (0, 0)),
            pl.BlockSpec((1, W3.shape[0]), lambda i: (0, 0)),
            pl.BlockSpec((1, b3.shape[0]), lambda i: (0, 0)),
        ],
        out_specs=pl.BlockSpec((_MLP_BLOCK // 128, 128), lambda i: (i, 0)),
        out_shape=jax.ShapeDtypeStruct((B // 128, 128), jnp.float32),
    )(h, W1, b1.reshape(1, -1), W2, b2.reshape(1, -1), W3.reshape(1, -1),
      b3.reshape(1, -1))
    return out2d.reshape(B, 1)


def kernel(x, table, W1, b1, W2, b2, W3, b3):
    x = x.astype(jnp.int32)
    h = _sc_gather(table, x)
    return _mlp(h, W1, b1, W2, b2, W3, b3)

# --- scband reference (transcript-rebuilt; emitter-appended) ---
"""Pipeline reference for scband-simple-ctrmodel-64862596104492 (READ-ONLY COPY).

The authoritative reference and input builder live on the scoring server;
editing this copy changes nothing except your own understanding.
"""

import jax, jax.numpy as jnp
import numpy as np

NUM_FEATURES = 100000
EMBED_DIM = 128
BATCH = 16384

def setup_inputs(seed: int = 0) -> dict:
    key = jax.random.key(seed)
    ks = jax.random.split(key, 8)
    x = jax.random.randint(ks[0], (BATCH,), 0, NUM_FEATURES, dtype=jnp.int64 if jax.config.jax_enable_x64 else jnp.int32)
    table = jax.random.normal(ks[1], (NUM_FEATURES, EMBED_DIM), dtype=jnp.float32) * 0.05
    W1 = jax.random.normal(ks[2], (EMBED_DIM, 128), dtype=jnp.float32) * (1.0 / np.sqrt(EMBED_DIM))
    b1 = jnp.zeros((128,), dtype=jnp.float32)
    W2 = jax.random.normal(ks[3], (128, 64), dtype=jnp.float32) * (1.0 / np.sqrt(128))
    b2 = jnp.zeros((64,), dtype=jnp.float32)
    W3 = jax.random.normal(ks[4], (64, 1), dtype=jnp.float32) * (1.0 / np.sqrt(64))
    b3 = jnp.zeros((1,), dtype=jnp.float32)
    return {"x": x, "table": table, "W1": W1, "b1": b1, "W2": W2, "b2": b2, "W3": W3, "b3": b3}

def reference(x, table, W1, b1, W2, b2, W3, b3):
    # embedding lookup -> [B, embed_dim] (view is identity for single-index input)
    h = jnp.take(table, x, axis=0)
    h = h.reshape(x.shape[0], -1)
    h = jax.nn.relu(h @ W1 + b1)
    h = jax.nn.relu(h @ W2 + b2)
    h = h @ W3 + b3
    return jax.nn.sigmoid(h)

if __name__ == "__main__":
    import jax
    _d = setup_inputs()
    print(jax.jit(kernel)(*tuple(_d.values())))

</pallas_src>

<mosaic_0001>
#map = affine_map<(d0, d1) -> (0, 0)>
#map1 = affine_map<(d0, d1) -> (0)>
module attributes {stable_mosaic.version = 14 : i64} {
  func.func @gather_kernel(%arg0: i32, %arg1: i32, %arg2: memref<100000x128xf32, #tpu.memory_space<hbm>>, %arg3: memref<16384xi32, #tpu.memory_space<hbm>>, %arg4: memref<16384x128xf32, #tpu.memory_space<hbm>>, %arg5: memref<512xi32, #tpu.memory_space<vmem>>, %arg6: memref<128x128xf32, #tpu.memory_space<vmem>>, %arg7: memref<128x128xf32, #tpu.memory_space<vmem>>, %arg8: memref<128x128xf32, #tpu.memory_space<vmem>>, %arg9: memref<128x128xf32, #tpu.memory_space<vmem>>, %arg10: memref<!tpu.dma_semaphore, #tpu.memory_space<semaphore_mem>>, %arg11: memref<!tpu.dma_semaphore, #tpu.memory_space<semaphore_mem>>) attributes {dimension_semantics = [#tpu.dimension_semantics<core_parallel>, #tpu.dimension_semantics<subcore_parallel>], iteration_bounds = array<i64: 2, 16>, scalar_prefetch = 0 : i64, scratch_operands = 7 : i64, tpu.core_type = #tpu.core_type<sc_vector_subcore>, window_params = [{transform_indices = #map}, {transform_indices = #map1}, {transform_indices = #map}]} {
    %mul3A = arith.constant 2 : i32
    %mul3A_0 = arith.muli %arg1, %mul3A : i32
    %add3A = arith.addi %mul3A_0, %arg0 : i32
    %mul3A_1 = arith.constant 512 : i32
    %mul3A_2 = arith.muli %add3A, %mul3A_1 : i32
    "tpu.region"() ({
      %run_scoped3A = tpu.sem_alloc : memref<!tpu.dma_semaphore, #tpu.memory_space<semaphore_mem>>
      %dma_start3A_81 = tpu.memref_slice %arg3[%mul3A_2] : memref<16384xi32, #tpu.memory_space<hbm>> -> memref<512xi32, #tpu.memory_space<hbm>>
      %dma_start3A_82 = tpu.memref_slice %arg3[%mul3A_2] : memref<16384xi32, #tpu.memory_space<hbm>> -> memref<512xi32, #tpu.memory_space<hbm>>
      tpu.enqueue_dma source(%dma_start3A_82 : memref<512xi32, #tpu.memory_space<hbm>>) target(%arg5 : memref<512xi32, #tpu.memory_space<vmem>>) target_semaphore(%run_scoped3A : memref<!tpu.dma_semaphore, #tpu.memory_space<semaphore_mem>>)
      %dma_wait3A_83 = tpu.memref_slice %arg3[%mul3A_2] : memref<16384xi32, #tpu.memory_space<hbm>> -> memref<512xi32, #tpu.memory_space<hbm>>
      %dma_wait3A_84 = tpu.memref_slice %arg3[%mul3A_2] : memref<16384xi32, #tpu.memory_space<hbm>> -> memref<512xi32, #tpu.memory_space<hbm>>
      tpu.wait_dma2 semaphore(%run_scoped3A : memref<!tpu.dma_semaphore, #tpu.memory_space<semaphore_mem>>) src(%dma_wait3A_84 : memref<512xi32, #tpu.memory_space<hbm>>) dst(%arg5 : memref<512xi32, #tpu.memory_space<vmem>>)
      tpu.yield
    }) : () -> ()
    %dma_start3A = arith.constant 0 : i32
    %dma_start3A_3 = tpu.memref_slice %arg5[%dma_start3A] : memref<512xi32, #tpu.memory_space<vmem>> -> memref<128xi32, #tpu.memory_space<vmem>>
    %dma_start3A_4 = arith.constant 0 : i32
    %dma_start3A_5 = arith.constant 0 : i32
    %dma_start3A_6 = tpu.memref_slice %arg2[%dma_start3A_4, %dma_start3A_5] : memref<100000x128xf32, #tpu.memory_space<hbm>> -> memref<100000x128xf32, #tpu.memory_space<hbm>>
    tpu.enqueue_indirect_dma source(%dma_start3A_6 : memref<100000x128xf32, #tpu.memory_space<hbm>>) target(%arg6 : memref<128x128xf32, #tpu.memory_space<vmem>>) offsets(%dma_start3A_3 : memref<128xi32, #tpu.memory_space<vmem>>) semaphore(%arg10 : memref<!tpu.dma_semaphore, #tpu.memory_space<semaphore_mem>>)
    %dma_start3A_7 = arith.constant 128 : i32
    %dma_start3A_8 = tpu.memref_slice %arg5[%dma_start3A_7] : memref<512xi32, #tpu.memory_space<vmem>> -> memref<128xi32, #tpu.memory_space<vmem>>
    %dma_start3A_9 = arith.constant 0 : i32
    %dma_start3A_10 = arith.constant 0 : i32
    %dma_start3A_11 = tpu.memref_slice %arg2[%dma_start3A_9, %dma_start3A_10] : memref<100000x128xf32, #tpu.memory_space<hbm>> -> memref<100000x128xf32, #tpu.memory_space<hbm>>
    tpu.enqueue_indirect_dma source(%dma_start3A_11 : memref<100000x128xf32, #tpu.memory_space<hbm>>) target(%arg7 : memref<128x128xf32, #tpu.memory_space<vmem>>) offsets(%dma_start3A_8 : memref<128xi32, #tpu.memory_space<vmem>>) semaphore(%arg10 : memref<!tpu.dma_semaphore, #tpu.memory_space<semaphore_mem>>)
    %dma_start3A_12 = arith.constant 256 : i32
    %dma_start3A_13 = tpu.memref_slice %arg5[%dma_start3A_12] : memref<512xi32, #tpu.memory_space<vmem>> -> memref<128xi32, #tpu.memory_space<vmem>>
    %dma_start3A_14 = arith.constant 0 : i32
    %dma_start3A_15 = arith.constant 0 : i32
    %dma_start3A_16 = tpu.memref_slice %arg2[%dma_start3A_14, %dma_start3A_15] : memref<100000x128xf32, #tpu.memory_space<hbm>> -> memref<100000x128xf32, #tpu.memory_space<hbm>>
    tpu.enqueue_indirect_dma source(%dma_start3A_16 : memref<100000x128xf32, #tpu.memory_space<hbm>>) target(%arg8 : memref<128x128xf32, #tpu.memory_space<vmem>>) offsets(%dma_start3A_13 : memref<128xi32, #tpu.memory_space<vmem>>) semaphore(%arg10 : memref<!tpu.dma_semaphore, #tpu.memory_space<semaphore_mem>>)
    %dma_start3A_17 = arith.constant 384 : i32
    %dma_start3A_18 = tpu.memref_slice %arg5[%dma_start3A_17] : memref<512xi32, #tpu.memory_space<vmem>> -> memref<128xi32, #tpu.memory_space<vmem>>
    %dma_start3A_19 = arith.constant 0 : i32
    %dma_start3A_20 = arith.constant 0 : i32
    %dma_start3A_21 = tpu.memref_slice %arg2[%dma_start3A_19, %dma_start3A_20] : memref<100000x128xf32, #tpu.memory_space<hbm>> -> memref<100000x128xf32, #tpu.memory_space<hbm>>
    tpu.enqueue_indirect_dma source(%dma_start3A_21 : memref<100000x128xf32, #tpu.memory_space<hbm>>) target(%arg9 : memref<128x128xf32, #tpu.memory_space<vmem>>) offsets(%dma_start3A_18 : memref<128xi32, #tpu.memory_space<vmem>>) semaphore(%arg10 : memref<!tpu.dma_semaphore, #tpu.memory_space<semaphore_mem>>)
    %dma_wait3A = arith.constant 0 : i32
    %dma_wait3A_22 = tpu.memref_slice %arg5[%dma_wait3A] : memref<512xi32, #tpu.memory_space<vmem>> -> memref<128xi32, #tpu.memory_space<vmem>>
    %dma_wait3A_23 = arith.constant 0 : i32
    %dma_wait3A_24 = arith.constant 0 : i32
    %dma_wait3A_25 = tpu.memref_slice %arg2[%dma_wait3A_23, %dma_wait3A_24] : memref<100000x128xf32, #tpu.memory_space<hbm>> -> memref<100000x128xf32, #tpu.memory_space<hbm>>
    tpu.wait_indirect_dma semaphore(%arg10 : memref<!tpu.dma_semaphore, #tpu.memory_space<semaphore_mem>>) src(%dma_wait3A_25 : memref<100000x128xf32, #tpu.memory_space<hbm>>) dst(%arg6 : memref<128x128xf32, #tpu.memory_space<vmem>>)
    %add3A_26 = arith.constant 0 : i32
    %add3A_27 = arith.addi %mul3A_2, %add3A_26 : i32
    %dma_start3A_28 = arith.constant 0 : i32
    %dma_start3A_29 = tpu.memref_slice %arg4[%add3A_27, %dma_start3A_28] : memref<16384x128xf32, #tpu.memory_space<hbm>> -> memref<128x128xf32, #tpu.memory_space<hbm>>
    %dma_start3A_30 = arith.constant 0 : i32
    %dma_start3A_31 = tpu.memref_slice %arg4[%add3A_27, %dma_start3A_30] : memref<16384x128xf32, #tpu.memory_space<hbm>> -> memref<128x128xf32, #tpu.memory_space<hbm>>
    tpu.enqueue_dma source(%arg6 : memref<128x128xf32, #tpu.memory_space<vmem>>) target(%dma_start3A_31 : memref<128x128xf32, #tpu.memory_space<hbm>>) target_semaphore(%arg11 : memref<!tpu.dma_semaphore, #tpu.memory_space<semaphore_mem>>)
    %dma_wait3A_32 = arith.constant 128 : i32
    %dma_wait3A_33 = tpu.memref_slice %arg5[%dma_wait3A_32] : memref<512xi32, #tpu.memory_space<vmem>> -> memref<128xi32, #tpu.memory_space<vmem>>
    %dma_wait3A_34 = arith.constant 0 : i32
    %dma_wait3A_35 = arith.constant 0 : i32
    %dma_wait3A_36 = tpu.memref_slice %arg2[%dma_wait3A_34, %dma_wait3A_35] : memref<100000x128xf32, #tpu.memory_space<hbm>> -> memref<100000x128xf32, #tpu.memory_space<hbm>>
    tpu.wait_indirect_dma semaphore(%arg10 : memref<!tpu.dma_semaphore, #tpu.memory_space<semaphore_mem>>) src(%dma_wait3A_36 : memref<100000x128xf32, #tpu.memory_space<hbm>>) dst(%arg7 : memref<128x128xf32, #tpu.memory_space<vmem>>)
    %add3A_37 = arith.constant 128 : i32
    %add3A_38 = arith.addi %mul3A_2, %add3A_37 : i32
    %dma_start3A_39 = arith.constant 0 : i32
    %dma_start3A_40 = tpu.memref_slice %arg4[%add3A_38, %dma_start3A_39] : memref<16384x128xf32, #tpu.memory_space<hbm>> -> memref<128x128xf32, #tpu.memory_space<hbm>>
    %dma_start3A_41 = arith.constant 0 : i32
    %dma_start3A_42 = tpu.memref_slice %arg4[%add3A_38, %dma_start3A_41] : memref<16384x128xf32, #tpu.memory_space<hbm>> -> memref<128x128xf32, #tpu.memory_space<hbm>>
    tpu.enqueue_dma source(%arg7 : memref<128x128xf32, #tpu.memory_space<vmem>>) target(%dma_start3A_42 : memref<128x128xf32, #tpu.memory_space<hbm>>) target_semaphore(%arg11 : memref<!tpu.dma_semaphore, #tpu.memory_space<semaphore_mem>>)
    %dma_wait3A_43 = arith.constant 256 : i32
    %dma_wait3A_44 = tpu.memref_slice %arg5[%dma_wait3A_43] : memref<512xi32, #tpu.memory_space<vmem>> -> memref<128xi32, #tpu.memory_space<vmem>>
    %dma_wait3A_45 = arith.constant 0 : i32
    %dma_wait3A_46 = arith.constant 0 : i32
    %dma_wait3A_47 = tpu.memref_slice %arg2[%dma_wait3A_45, %dma_wait3A_46] : memref<100000x128xf32, #tpu.memory_space<hbm>> -> memref<100000x128xf32, #tpu.memory_space<hbm>>
    tpu.wait_indirect_dma semaphore(%arg10 : memref<!tpu.dma_semaphore, #tpu.memory_space<semaphore_mem>>) src(%dma_wait3A_47 : memref<100000x128xf32, #tpu.memory_space<hbm>>) dst(%arg8 : memref<128x128xf32, #tpu.memory_space<vmem>>)
    %add3A_48 = arith.constant 256 : i32
    %add3A_49 = arith.addi %mul3A_2, %add3A_48 : i32
    %dma_start3A_50 = arith.constant 0 : i32
    %dma_start3A_51 = tpu.memref_slice %arg4[%add3A_49, %dma_start3A_50] : memref<16384x128xf32, #tpu.memory_space<hbm>> -> memref<128x128xf32, #tpu.memory_space<hbm>>
    %dma_start3A_52 = arith.constant 0 : i32
    %dma_start3A_53 = tpu.memref_slice %arg4[%add3A_49, %dma_start3A_52] : memref<16384x128xf32, #tpu.memory_space<hbm>> -> memref<128x128xf32, #tpu.memory_space<hbm>>
    tpu.enqueue_dma source(%arg8 : memref<128x128xf32, #tpu.memory_space<vmem>>) target(%dma_start3A_53 : memref<128x128xf32, #tpu.memory_space<hbm>>) target_semaphore(%arg11 : memref<!tpu.dma_semaphore, #tpu.memory_space<semaphore_mem>>)
    %dma_wait3A_54 = arith.constant 384 : i32
    %dma_wait3A_55 = tpu.memref_slice %arg5[%dma_wait3A_54] : memref<512xi32, #tpu.memory_space<vmem>> -> memref<128xi32, #tpu.memory_space<vmem>>
    %dma_wait3A_56 = arith.constant 0 : i32
    %dma_wait3A_57 = arith.constant 0 : i32
    %dma_wait3A_58 = tpu.memref_slice %arg2[%dma_wait3A_56, %dma_wait3A_57] : memref<100000x128xf32, #tpu.memory_space<hbm>> -> memref<100000x128xf32, #tpu.memory_space<hbm>>
    tpu.wait_indirect_dma semaphore(%arg10 : memref<!tpu.dma_semaphore, #tpu.memory_space<semaphore_mem>>) src(%dma_wait3A_58 : memref<100000x128xf32, #tpu.memory_space<hbm>>) dst(%arg9 : memref<128x128xf32, #tpu.memory_space<vmem>>)
    %add3A_59 = arith.constant 384 : i32
    %add3A_60 = arith.addi %mul3A_2, %add3A_59 : i32
    %dma_start3A_61 = arith.constant 0 : i32
    %dma_start3A_62 = tpu.memref_slice %arg4[%add3A_60, %dma_start3A_61] : memref<16384x128xf32, #tpu.memory_space<hbm>> -> memref<128x128xf32, #tpu.memory_space<hbm>>
    %dma_start3A_63 = arith.constant 0 : i32
    %dma_start3A_64 = tpu.memref_slice %arg4[%add3A_60, %dma_start3A_63] : memref<16384x128xf32, #tpu.memory_space<hbm>> -> memref<128x128xf32, #tpu.memory_space<hbm>>
    tpu.enqueue_dma source(%arg9 : memref<128x128xf32, #tpu.memory_space<vmem>>) target(%dma_start3A_64 : memref<128x128xf32, #tpu.memory_space<hbm>>) target_semaphore(%arg11 : memref<!tpu.dma_semaphore, #tpu.memory_space<semaphore_mem>>)
    %dma_wait3A_65 = arith.constant 0 : i32
    %dma_wait3A_66 = tpu.memref_slice %arg4[%add3A_27, %dma_wait3A_65] : memref<16384x128xf32, #tpu.memory_space<hbm>> -> memref<128x128xf32, #tpu.memory_space<hbm>>
    %dma_wait3A_67 = arith.constant 0 : i32
    %dma_wait3A_68 = tpu.memref_slice %arg4[%add3A_27, %dma_wait3A_67] : memref<16384x128xf32, #tpu.memory_space<hbm>> -> memref<128x128xf32, #tpu.memory_space<hbm>>
    tpu.wait_dma2 semaphore(%arg11 : memref<!tpu.dma_semaphore, #tpu.memory_space<semaphore_mem>>) src(%arg6 : memref<128x128xf32, #tpu.memory_space<vmem>>) dst(%dma_wait3A_68 : memref<128x128xf32, #tpu.memory_space<hbm>>)
    %dma_wait3A_69 = arith.constant 0 : i32
    %dma_wait3A_70 = tpu.memref_slice %arg4[%add3A_38, %dma_wait3A_69] : memref<16384x128xf32, #tpu.memory_space<hbm>> -> memref<128x128xf32, #tpu.memory_space<hbm>>
    %dma_wait3A_71 = arith.constant 0 : i32
    %dma_wait3A_72 = tpu.memref_slice %arg4[%add3A_38, %dma_wait3A_71] : memref<16384x128xf32, #tpu.memory_space<hbm>> -> memref<128x128xf32, #tpu.memory_space<hbm>>
    tpu.wait_dma2 semaphore(%arg11 : memref<!tpu.dma_semaphore, #tpu.memory_space<semaphore_mem>>) src(%arg7 : memref<128x128xf32, #tpu.memory_space<vmem>>) dst(%dma_wait3A_72 : memref<128x128xf32, #tpu.memory_space<hbm>>)
    %dma_wait3A_73 = arith.constant 0 : i32
    %dma_wait3A_74 = tpu.memref_slice %arg4[%add3A_49, %dma_wait3A_73] : memref<16384x128xf32, #tpu.memory_space<hbm>> -> memref<128x128xf32, #tpu.memory_space<hbm>>
    %dma_wait3A_75 = arith.constant 0 : i32
    %dma_wait3A_76 = tpu.memref_slice %arg4[%add3A_49, %dma_wait3A_75] : memref<16384x128xf32, #tpu.memory_space<hbm>> -> memref<128x128xf32, #tpu.memory_space<hbm>>
    tpu.wait_dma2 semaphore(%arg11 : memref<!tpu.dma_semaphore, #tpu.memory_space<semaphore_mem>>) src(%arg8 : memref<128x128xf32, #tpu.memory_space<vmem>>) dst(%dma_wait3A_76 : memref<128x128xf32, #tpu.memory_space<hbm>>)
    %dma_wait3A_77 = arith.constant 0 : i32
    %dma_wait3A_78 = tpu.memref_slice %arg4[%add3A_60, %dma_wait3A_77] : memref<16384x128xf32, #tpu.memory_space<hbm>> -> memref<128x128xf32, #tpu.memory_space<hbm>>
    %dma_wait3A_79 = arith.constant 0 : i32
    %dma_wait3A_80 = tpu.memref_slice %arg4[%add3A_60, %dma_wait3A_79] : memref<16384x128xf32, #tpu.memory_space<hbm>> -> memref<128x128xf32, #tpu.memory_space<hbm>>
    tpu.wait_dma2 semaphore(%arg11 : memref<!tpu.dma_semaphore, #tpu.memory_space<semaphore_mem>>) src(%arg9 : memref<128x128xf32, #tpu.memory_space<vmem>>) dst(%dma_wait3A_80 : memref<128x128xf32, #tpu.memory_space<hbm>>)
    return
  }
}

module attributes {stable_mosaic.version = 14 : i64} {
  func.func @_mlp_body(%arg0: i32, %arg1: memref<8192x128xf32, #tpu.memory_space<vmem>>, %arg2: memref<128x128xf32, #tpu.memory_space<vmem>>, %arg3: memref<1x128xf32, #tpu.memory_space<vmem>>, %arg4: memref<128x64xf32, #tpu.memory_space<vmem>>, %arg5: memref<1x64xf32, #tpu.memory_space<vmem>>, %arg6: memref<1x64xf32, #tpu.memory_space<vmem>>, %arg7: memref<1x1xf32, #tpu.memory_space<vmem>>, %arg8: memref<64x128xf32, #tpu.memory_space<vmem>>) attributes {dimension_semantics = [#tpu.dimension_semantics<arbitrary>], iteration_bounds = array<i64: 2>, scalar_prefetch = 0 : i64, scratch_operands = 0 : i64, tpu.core_type = #tpu.core_type<tc>, window_params = [{transform_indices = @transform_0, window_bounds = array<i64: 8192, 128>}, {pipeline_mode = #tpu.pipeline_mode<synchronous>, transform_indices = @transform_1, window_bounds = array<i64: 128, 128>}, {pipeline_mode = #tpu.pipeline_mode<synchronous>, transform_indices = @transform_2, window_bounds = array<i64: 1, 128>}, {pipeline_mode = #tpu.pipeline_mode<synchronous>, transform_indices = @transform_3, window_bounds = array<i64: 128, 64>}, {pipeline_mode = #tpu.pipeline_mode<synchronous>, transform_indices = @transform_4, window_bounds = array<i64: 1, 64>}, {pipeline_mode = #tpu.pipeline_mode<synchronous>, transform_indices = @transform_5, window_bounds = array<i64: 1, 64>}, {pipeline_mode = #tpu.pipeline_mode<synchronous>, transform_indices = @transform_6, window_bounds = array<i64: 1, 1>}, {transform_indices = @transform_7, window_bounds = array<i64: 64, 128>}]} {
    %get3A = arith.constant 0 : index
    %get3A_0 = arith.constant 0 : index
    %get3A_1 = vector.load %arg1[%get3A, %get3A_0] : memref<8192x128xf32, #tpu.memory_space<vmem>>, vector<8192x128xf32>
    %get3A_2 = arith.constant 0 : index
    %get3A_3 = arith.constant 0 : index
    %get3A_4 = vector.load %arg2[%get3A_2, %get3A_3] : memref<128x128xf32, #tpu.memory_space<vmem>>, vector<128x128xf32>
    %dot_general3A = arith.constant dense<0.000000e+00> : vector<8192x128xf32>
    %dot_general3A_5 = tpu.matmul %get3A_1, %get3A_4, %dot_general3A {dimension_numbers = #tpu.dot_dimension_numbers<[1], [0], [0], [1], [0, 0, 1, 1], [], []>, transpose_lhs_hint = false} : vector<8192x128xf32>, vector<128x128xf32>, vector<8192x128xf32> -> vector<8192x128xf32>
    %get3A_6 = arith.constant 0 : index
    %get3A_7 = arith.constant 0 : index
    %get3A_8 = vector.load %arg3[%get3A_6, %get3A_7] : memref<1x128xf32, #tpu.memory_space<vmem>>, vector<1x128xf32>
    %add3A = vector.broadcast %get3A_8 : vector<1x128xf32> to vector<8192x128xf32>
    %add3A_9 = arith.addf %dot_general3A_5, %add3A : vector<8192x128xf32>
    %max3A = arith.constant 0.000000e+00 : f32
    %max3A_10 = vector.broadcast %max3A : f32 to vector<8192x128xf32>
    %max3A_11 = arith.maximumf %add3A_9, %max3A_10 : vector<8192x128xf32>
    %get3A_12 = arith.constant 0 : index
    %get3A_13 = arith.constant 0 : index
    %get3A_14 = vector.load %arg4[%get3A_12, %get3A_13] : memref<128x64xf32, #tpu.memory_space<vmem>>, vector<128x64xf32>
    %dot_general3A_15 = arith.constant dense<0.000000e+00> : vector<8192x64xf32>
    %dot_general3A_16 = tpu.matmul %max3A_11, %get3A_14, %dot_general3A_15 {dimension_numbers = #tpu.dot_dimension_numbers<[1], [0], [0], [1], [0, 0, 1, 1], [], []>, transpose_lhs_hint = false} : vector<8192x128xf32>, vector<128x64xf32>, vector<8192x64xf32> -> vector<8192x64xf32>
    %get3A_17 = arith.constant 0 : index
    %get3A_18 = arith.constant 0 : index
    %get3A_19 = vector.load %arg5[%get3A_17, %get3A_18] : memref<1x64xf32, #tpu.memory_space<vmem>>, vector<1x64xf32>
    %add3A_20 = vector.broadcast %get3A_19 : vector<1x64xf32> to vector<8192x64xf32>
    %add3A_21 = arith.addf %dot_general3A_16, %add3A_20 : vector<8192x64xf32>
    %max3A_22 = arith.constant 0.000000e+00 : f32
    %max3A_23 = vector.broadcast %max3A_22 : f32 to vector<8192x64xf32>
    %max3A_24 = arith.maximumf %add3A_21, %max3A_23 : vector<8192x64xf32>
    %get3A_25 = arith.constant 0 : index
    %get3A_26 = arith.constant 0 : index
    %get3A_27 = vector.load %arg6[%get3A_25, %get3A_26] : memref<1x64xf32, #tpu.memory_space<vmem>>, vector<1x64xf32>
    %mul3A = vector.broadcast %get3A_27 : vector<1x64xf32> to vector<8192x64xf32>
    %mul3A_28 = arith.mulf %max3A_24, %mul3A : vector<8192x64xf32>
    %reduce_sum3A = arith.constant dense<0.000000e+00> : vector<8192xf32>
    %reduce_sum3A_29 = vector.multi_reduction <add>, %mul3A_28, %reduce_sum3A [1] : vector<8192x64xf32> to vector<8192xf32>
    %get3A_30 = arith.constant 0 : index
    %get3A_31 = arith.constant 0 : index
    %get3A_32 = vector.load %arg7[%get3A_30, %get3A_31] : memref<1x1xf32, #tpu.memory_space<vmem>>, vector<1x1xf32>
    %get3A_33 = vector.extract %get3A_32[0, 0] : f32 from vector<1x1xf32>
    %add3A_34 = vector.broadcast %get3A_33 : f32 to vector<8192xf32>
    %add3A_35 = arith.addf %reduce_sum3A_29, %add3A_34 : vector<8192xf32>
    %logistic3A = arith.negf %add3A_35 : vector<8192xf32>
    %logistic3A_36 = math.exp %logistic3A : vector<8192xf32>
    %logistic3A_37 = arith.constant 1.000000e+00 : f32
    %logistic3A_38 = vector.broadcast %logistic3A_37 : f32 to vector<8192xf32>
    %logistic3A_39 = arith.addf %logistic3A_38, %logistic3A_36 : vector<8192xf32>
    %logistic3A_40 = arith.divf %logistic3A_38, %logistic3A_39 : vector<8192xf32>
    %reshape3A = vector.shape_cast %logistic3A_40 : vector<8192xf32> to vector<64x128xf32>
    %swap3A = arith.constant 0 : index
    %swap3A_41 = arith.constant 0 : index
    %swap3A_42 = vector.load %arg8[%swap3A, %swap3A_41] : memref<64x128xf32, #tpu.memory_space<vmem>>, vector<64x128xf32>
    tpu.vector_store %arg8[%swap3A, %swap3A_41], %reshape3A {strides = array<i32>} : memref<64x128xf32, #tpu.memory_space<vmem>>, vector<64x128xf32>,
    return
  }
  func.func @transform_0(%arg0: i32) -> (i32, i32) {
    %c0_i32 = arith.constant 0 : i32
    %c0_i32_0 = arith.constant 0 : i32
    return %arg0, %c0_i32 : i32, i32
  }
  func.func @transform_1(%arg0: i32) -> (i32, i32) {
    %c0_i32 = arith.constant 0 : i32
    %c0_i32_0 = arith.constant 0 : i32
    %c0_i32_1 = arith.constant 0 : i32
    return %c0_i32, %c0_i32_0 : i32, i32
  }
  func.func @transform_2(%arg0: i32) -> (i32, i32) {
    %c0_i32 = arith.constant 0 : i32
    %c0_i32_0 = arith.constant 0 : i32
    %c0_i32_1 = arith.constant 0 : i32
    return %c0_i32, %c0_i32_0 : i32, i32
  }
  func.func @transform_3(%arg0: i32) -> (i32, i32) {
    %c0_i32 = arith.constant 0 : i32
    %c0_i32_0 = arith.constant 0 : i32
    %c0_i32_1 = arith.constant 0 : i32
    return %c0_i32, %c0_i32_0 : i32, i32
  }
  func.func @transform_4(%arg0: i32) -> (i32, i32) {
    %c0_i32 = arith.constant 0 : i32
    %c0_i32_0 = arith.constant 0 : i32
    %c0_i32_1 = arith.constant 0 : i32
    return %c0_i32, %c0_i32_0 : i32, i32
  }
  func.func @transform_5(%arg0: i32) -> (i32, i32) {
    %c0_i32 = arith.constant 0 : i32
    %c0_i32_0 = arith.constant 0 : i32
    %c0_i32_1 = arith.constant 0 : i32
    return %c0_i32, %c0_i32_0 : i32, i32
  }
  func.func @transform_6(%arg0: i32) -> (i32, i32) {
    %c0_i32 = arith.constant 0 : i32
    %c0_i32_0 = arith.constant 0 : i32
    %c0_i32_1 = arith.constant 0 : i32
    return %c0_i32, %c0_i32_0 : i32, i32
  }
  func.func @transform_7(%arg0: i32) -> (i32, i32) {
    %c0_i32 = arith.constant 0 : i32
    %c0_i32_0 = arith.constant 0 : i32
    return %arg0, %c0_i32 : i32, i32
  }
}

</mosaic_0001>

<sc_bundles>
// kernel: kernel.4.cloned.1.call-start
scs
__scs_entry_jumppad:
0x0: {  	(pc) =	sbr.rel $0x88, $3  }
0x1: {  	(tag) =	ssettag $0x0;
	lr =	simm.s32 $0x1  }
0x2: {  	[smem:$0x3F99] =	sst lr;
	_ =	strace $0xD0000000  }
0x3: {  	_ = 	snop  }
0x4: {  	_ = 	snop  }
0x5: {  	_ = 	snop  }
0x6: {  	_ = 	snop  }
0x7: {  	_ = 	snop  }
__scs_overlays_trampoline_lowered:
0x8: {  	[smem:$0x3FA8] =	sst s0  }
0x9: {  	[smem:$0x3FA9] =	sst s1  }
0xa: {  	[smem:$0x3FAA] =	sst s2  }
0xb: {  	[smem:$0x3FAB] =	sst s3  }
0xc: {  	[smem:$0x3FAC] =	sst s4  }
0xd: {  	[smem:$0x3FAD] =	sst s5  }
0xe: {  	[smem:$0x3FAE] =	sst s6  }
0xf: {  	[smem:$0x3FAF] =	sst s7  }
0x10: {  	[smem:$0x3FB0] =	sst s8  }
0x11: {  	[smem:$0x3FB1] =	sst s9;
	s0 =	simm.s32 @!p0 $0x0  }
0x12: {  	s1 =	sld [smem:$0x3F97];
	s0 =	simm.s32 @p0 $0x1  }
0x13: {  	[smem:$0x3FB2] =	sst s0;
	s0 =	simm.s32 @!p1 $0x0  }
0x14: {  	s2 =	sld [smem:$0x3F96];
	s0 =	simm.s32 @p1 $0x1  }
0x15: {  	[smem:$0x3FB3] =	sst s0;
	s0 =	simm.s32 @!p2 $0x0  }
0x16: {  	s3 =	sld [smem:$0x3FDB];
	s0 =	simm.s32 @p2 $0x1  }
0x17: {  	s4 =	simm.s32 $0x1BF5;
	[smem:$0x3FB5] =	sst s0  }
0x18: {  	s0 =	sld [smem:$0x3F98];
	_ =	swait.ge [sflag:s4], $0x0  }
0x19: {  	s7 =	sld [smem:$0x3F99]  }
0x1a: {  	s8 =	sadd.s32 $0xFFFFE003, lr  }
0x1b: {  	s9 =	sadd.s32 $0xFFFFFEF7, lr;
	s5 =	simm.s32 $0xFFFFFFFF;
	p2 =	slt.u32 s8, $0xFFFFF086  }
0x1c: {  	p1 =	slt.u32 s9, $0xF7A;
	s5 =	simm.s32 @!p2 $0x0  }
0x1d: {  	s5 =	simm.s32 @p1 $0x1;
	p0 =	seq.s32 s7, s2  }
0x1e: {  	s7 =	smul.u32 @!p0 $0xF7A, s2;
	p2 =	seq.s32 @!p0 s5, $0x0  }
0x1f: {  	s9 =	smul.u32 $0xF7A, s1;
	s8 =	simm.s32 @!p0 $0x1BF5;
	p2 =	por !p2, p0  }
0x20: {  	[sflag:s8] =	ssyncset.s32 @!p0 $0xFFFFF086;
	s6 =	sadd.s32 @!p0 s3, s7;
	s7 =	simm.s32 @!p0 $0x108  }
0x21: {  	s3 =	sadd.s32 s3, s9;
	s6 =	sadd.s32 @!p0 $0x88, s6;
	s7 =	simm.s32 @p2 $0x1082  }
0x22: {  	[simem:s7], [sflag:s8] =	dma.local @!p0 [hbm:s6], $0xF7A  }
0x23: {  	s9 =	sor.u32 $0xD0000000, s2;
	s6 =	simm.s32 $0x108;
	_ =	swait.ge @!p0 [sflag:s8], $0x0  }
0x24: {  	s3 =	sadd.s32 $0x88, s3;
	s6 =	simm.s32 @!p1 $0x1082;
	[sflag:s4] =	ssyncset.s32 $0xFFFFF086  }
0x25: {  	[simem:s6], [sflag:s4] =	dma.local [hbm:s3], $0xF7A  }
0x26: {  	[smem:$0x3F99] =	sst s1;
	(tag) =	ssettag s2;
	_ =	strace s9  }
0x27: {  	s1 =	sld [smem:$0x3FA9]  }
0x28: {  	s2 =	sld [smem:$0x3FAA]  }
0x29: {  	s4 =	sld [smem:$0x3FAC]  }
0x2a: {  	p0 =	seq.s32 s5, $0x0;
	s5 =	sld [smem:$0x3FAD]  }
0x2b: {  	s6 =	sld [smem:$0x3FAE]  }
0x2c: {  	s7 =	sld [smem:$0x3FAF]  }
0x2d: {  	s3 =	simm.s32 $0x108;
	s8 =	sld [smem:$0x3FB0]  }
0x2e: {  	s3 =	simm.s32 @!p0 $0x1082;
	s9 =	sld [smem:$0x3FB1]  }
0x2f: {  	lr =	sadd.s32 s0, s3;
	s0 =	sld [smem:$0x3FA8]  }
0x30: {  	s3 =	sld [smem:$0x3FAB]  }
0x31: {  	[smem:$0x3FB4] =	sst s10  }
0x32: {  	s10 =	sld [smem:$0x3FB2];
	_ =	sdelay $0x3  }
0x33: {  	p0 =	seq.s32 s10, $0x1;
	s10 =	sld [smem:$0x3FB4];
	_ =	sdelay $0x3  }
0x34: {  	[smem:$0x3FB4] =	sst s10  }
0x35: {  	s10 =	sld [smem:$0x3FB3];
	_ =	sdelay $0x3  }
0x36: {  	p1 =	seq.s32 s10, $0x1;
	s10 =	sld [smem:$0x3FB4];
	_ =	sdelay $0x3  }
0x37: {  	[smem:$0x3FB4] =	sst s10  }
0x38: {  	s10 =	sld [smem:$0x3FB5]  }
0x39: {  	_ = 	snop;
	(pc) =	sbr.ind lr, $3  }
0x3a: {  	_ = 	snop  }
0x3b: {  	_ = 	snop  }
0x3c: {  	p2 =	seq.s32 s10, $0x1;
	s10 =	sld [smem:$0x3FB4]  }
0x3d: {  	_ =	shalt  }
0x3e: {  	_ =	shalt  }
0x3f: {  	_ =	shalt  }
0x40: {  	_ =	shalt  }
0x41: {  	_ =	shalt  }
0x42: {  	_ =	shalt  }
0x43: {  	_ =	shalt  }
0x44: {  	_ =	shalt  }
0x45: {  	_ =	shalt  }
0x46: {  	_ =	shalt  }
0x47: {  	_ =	shalt  }
0x48: {  	_ =	shalt  }
0x49: {  	_ =	shalt  }
0x4a: {  	_ =	shalt  }
0x4b: {  	_ =	shalt  }
0x4c: {  	_ =	shalt  }
0x4d: {  	_ =	shalt  }
0x4e: {  	_ =	shalt  }
0x4f: {  	_ =	shalt  }
0x50: {  	_ =	shalt  }
0x51: {  	_ =	shalt  }
0x52: {  	_ =	shalt  }
0x53: {  	_ =	shalt  }
0x54: {  	_ =	shalt  }
0x55: {  	_ =	shalt  }
0x56: {  	_ =	shalt  }
0x57: {  	_ =	shalt  }
0x58: {  	_ =	shalt  }
0x59: {  	_ =	shalt  }
0x5a: {  	_ =	shalt  }
0x5b: {  	_ =	shalt  }
0x5c: {  	_ =	shalt  }
0x5d: {  	_ =	shalt  }
0x5e: {  	_ =	shalt  }
0x5f: {  	_ =	shalt  }
0x60: {  	_ =	shalt  }
0x61: {  	_ =	shalt  }
0x62: {  	_ =	shalt  }
0x63: {  	_ =	shalt  }
0x64: {  	_ =	shalt  }
0x65: {  	_ =	shalt  }
0x66: {  	_ =	shalt  }
0x67: {  	_ =	shalt  }
0x68: {  	_ =	shalt  }
0x69: {  	_ =	shalt  }
0x6a: {  	_ =	shalt  }
0x6b: {  	_ =	shalt  }
0x6c: {  	_ =	shalt  }
0x6d: {  	_ =	shalt  }
0x6e: {  	_ =	shalt  }
0x6f: {  	_ =	shalt  }
0x70: {  	_ =	shalt  }
0x71: {  	_ =	shalt  }
0x72: {  	_ =	shalt  }
0x73: {  	_ =	shalt  }
0x74: {  	_ =	shalt  }
0x75: {  	_ =	shalt  }
0x76: {  	_ =	shalt  }
0x77: {  	_ =	shalt  }
0x78: {  	_ =	shalt  }
0x79: {  	_ =	shalt  }
0x7a: {  	_ =	shalt  }
0x7b: {  	_ =	shalt  }
0x7c: {  	_ =	shalt  }
0x7d: {  	_ =	shalt  }
0x7e: {  	_ =	shalt  }
0x7f: {  	_ =	shalt  }
0x80: {  	_ =	shalt  }
0x81: {  	_ =	shalt  }
0x82: {  	_ =	shalt  }
0x83: {  	_ =	shalt  }
0x84: {  	_ =	shalt  }
0x85: {  	_ =	shalt  }
0x86: {  	_ =	shalt  }
0x87: {  	_ =	shalt  }
.Lfunc_end0:
.L_simem_size_0:
called_computation_lowered:
.L_overlay_start_0:
0x88: {  	s2 =	sld [smem:$0x3FD9]  }
0x89: {  	s3 =	sld [smem:$0x3FFE];
	_ =	sdelay $0x1  }
0x8a: {  	s1 =	srdreg.scid  }
0x8b: {  	s0 =	sand.u32 $0x1, s1  }
0x8c: {  	s17 =	sshll.u32 s0, $0xA;
	s2 =	sadd.s32 s3, s2  }
0x8d: {  	s2 =	sadd.s32 s2, s17  }
0x8e: {  	[smem:$0x3FC0] =	sst s2  }
0x8f: {  	_ = 	snop  }
0x90: {  	s2 =	sld [smem:$0x3FC9]  }
0x91: {  	s18 =	sld [smem:$0x3FC8];
	(tm) =	ssettm $0x1  }
0x92: {  	s4 =	sld [smem:$0x3FFB];
	_ =	sdelay $0x3  }
0x93: {  	_ =	strace s4  }
0x94: {  	s4 =	sld [smem:$0x3FFC];
	_ =	sdelay $0x3  }
0x95: {  	_ =	strace s4  }
0x96: {  	s4 =	sld [smem:$0x3FFD];
	_ =	sdelay $0x3  }
0x97: {  	_ =	strace s4  }
0x98: {  	_ =	strace $0x8FFFFFFF  }
0x99: {  	s19 =	sld [smem:$0x3FDB];
	_ =	sdelay $0x1  }
0x9a: {  	s5 =	simm.s32 $_scs_section_size  }
0x9b: {  	s6 =	simm.s32 $_size__tile_overlayer_lowered;
	s7 =	simm.s32 $_tile_overlayer_lowered  }
0x9c: {  	s22 =	simm.s32 $0x1BFF;
	s21 =	sshll.u32 s7, $0x1;
	s4 =	sadd.s32 s5, s19  }
0x9d: {  	s8 =	simm.s32 $0x0;
	s20 =	sshll.u32 s6, $0x1;
	s6 =	sadd.s32 s21, s4  }
0x9e: {  	[timem:s8], [sflag:s22] =	dma.local [hbm:s6], s20  }
0x9f: {  	_ =	swait.ge [sflag:s22], s20  }
0xa0: {  	s5 =	ssub.s32 $0x0, s20;
	[sflag:s22] =	ssyncset.done $0x0  }
0xa1: {  	[sflag:s22] =	ssyncadd.s32 s5;
	_ =	sdelay $0x1  }
0xa2: {  	s23 =	simm.s32 $0x1B8B  }
0xa3: {  	_ =	swait.ge [sflag:s23], $0x1  }
0xa4: {  	[sflag:s23] =	ssyncset.done $0x0  }
0xa5: {  	s25 =	simm.s32 $0x1B8E;
	s24 =	sld [smem:$0x3FFE];
	[sflag:s23] =	ssyncadd.s32 $0xFFFFFFFF  }
0xa6: {  	s26 =	simm.s32 $execute0_lowered;
	[smem:$0x3FD2] =	sst s25  }
0xa7: {  	s6 =	sshll.u32 s26, $0x1;
	_ =	strace $0x80000046;
	[dreg:$0x1] =	wrdreg $0xFFFFFFFF  }
0xa8: {  	s28 =	simm.s32 $_size_execute0_lowered;
	s4 =	sadd.s32 s4, s6;
	[dreg:$0x0] =	wrdreg $0x0  }
0xa9: {  	s6 =	sshll.u32 s28, $0x1;
	[dreg:$0x2] =	wrdreg s4  }
0xaa: {  	[dreg:$0x3] =	wrdreg s6  }
0xab: {  	[dreg:$0x4] =	wrdreg $0xC0  }
0xac: {  	_ =	task [dreg:s8], $0x5FFFF  }
0xad: {  	[dreg:$0x1] =	wrdreg $0xFFFFFFFF  }
0xae: {  	[dreg:$0x0] =	wrdreg $0x60  }
0xaf: {  	[dreg:$0x2] =	wrdreg s18  }
0xb0: {  	[dreg:$0x3] =	wrdreg s2  }
0xb1: {  	[dreg:$0x4] =	wrdreg s24  }
0xb2: {  	[dreg:$0x5] =	wrdreg $0x9  }
0xb3: {  	_ =	task.clear_ibuf [dreg:s8], $0x6FFFF;
	_ =	strace $0x90000046  }
0xb4: {  	s29 =	simm.s32 $0x9;
	_ =	strace $0x80000048  }
0xb5: {  	_ =	swait.ge [sflag:s29], $0x1  }
0xb6: {  	[sflag:s29] =	ssyncadd.s32 $0xFFFFFFFF  }
0xb7: {  	_ =	strace $0x90000048  }
0xb8: {  	_ =	sfence  }
0xb9: {  	s30 =	sld [smem:$0x0];
	_ =	sdelay $0x2  }
0xba: {  	s31 =	sshll.u32 s1, $0xD;
	s1 =	sshrl.u32 s1, $0x2  }
0xbb: {  	s3 =	sand.u32 $0x4000, s31;
	s1 =	sadd.s32 s1, s30  }
0xbc: {  	s0 =	sor.u32 s3, s0;
	s1 =	sshll.u32 s1, $0x11  }
0xbd: {  	s0 =	sor.u32 s1, s0  }
0xbe: {  	s0 =	sadd.s32 $0x8F2B, s0  }
0xbf: {  	[sflag:s0] =	ssyncadd.remote.s32 $0x1  }
0xc0: {  	_ =	sfence.sel $0xFFFF  }
0xc1: {  	[dreg:$0x0] =	wrdreg $0xFFFFFFFF;
	(pc) =	sbr.abs _section_cstart, $3  }
0xc2: {  	[dreg:$0x1] =	wrdreg $0xFFFFFFFF  }
0xc3: {  	_ =	task.clear_ibuf [dreg:s8], $0x2FFFF;
	_ =	strace $0x9FFFFFFF  }
0xc4: {  	(tm) =	ssettm $0x7FFFFFFF  }
0xc5: {  	_ =	shalt  }
tec
execute0_lowered:
.L_overlay_start_1:
0x0: {  	(tag) =	ssettag $0x1  }
0x1: {  	s1 =	rddreg [dreg:$0x0];
	s2 =	srdreg.scid  }
0x2: {  	s4 =	rddreg [dreg:$0x1];
	s0 =	stileid.u32;
	s19 =	sand.u32 $0x1, s2  }
0x3: {  	s14 =	rddreg [dreg:$0x2];
	s5 =	sshll.u32 s0, $0xA;
	s6 =	sshll.u32 s19, $0x9  }
0x4: {  	s3 =	simm.s32 $0x0;
	s2 =	rddreg [dreg:$0x3];
	s15 =	sor.u32 s6, s5  }
0x5: {  	[smem:$0x7FF] =	sst s3;
	s5 =	sshrl.u32 s15, $0x3  }
0x6: {  	_ =	strace $0x80000047;
	s4 =	sadd.s32 s4, s5;
	s5 =	simm.s32 $0x3  }
0x7: {  	[tilespmem:s3], [sflag:$0x3] =	stream.linear.gather [hbm4b:s4+s3], $0x200, $0x38;
	[tilespmem:$0x10200] =	vst v63  }
0x8: {  	_ =	swait.ge [sflag:s5], $0x200  }
0x9: {  	[sflag:s5] =	ssyncset.done $0x0  }
0xa: {  	s7 =	simm.s32 $0x200;
	s6 =	simm.s32 $0x80;
	[sflag:s5] =	ssyncadd.s32 $0xFFFFFE00  }
0xb: {  	[tilespmem:s7], [sflag:$0x1] =	stream.indirect.gather [hbm4b:s1+s6], $0x80, s3, s6, $0xb8;
	[tilespmem:$0x10200] =	vst v63  }
0xc: {  	s8 =	simm.s32 $0x4200  }
0xd: {  	[tilespmem:s8], [sflag:$0x1] =	stream.indirect.gather [hbm4b:s1+s6], $0x80, s6, s6, $0xb8;
	[tilespmem:$0x10200] =	vst v63  }
0xe: {  	s9 =	simm.s32 $0x100;
	s10 =	simm.s32 $0x8200  }
0xf: {  	[tilespmem:s10], [sflag:$0x1] =	stream.indirect.gather [hbm4b:s1+s6], $0x80, s9, s6, $0xb8;
	[tilespmem:$0x10200] =	vst v63  }
0x10: {  	s11 =	simm.s32 $0x180;
	s12 =	simm.s32 $0xC200;
	s13 =	simm.s32 $0x1  }
0x11: {  	[tilespmem:s12], [sflag:$0x1] =	stream.indirect.gather [hbm4b:s1+s6], $0x80, s11, s6, $0xb8;
	[tilespmem:$0x10200] =	vst v63  }
0x12: {  	s15 =	sshll.u32 s15, $0x4;
	_ =	swait.ge [sflag:s13], $0x4000  }
0x13: {  	s17 =	sadd.s32 s15, s14;
	[sflag:s13] =	ssyncset.done $0x0  }
0x14: {  	s14 =	sadd.s32 $0x1000, s17;
	[sflag:s13] =	ssyncadd.s32 $0xFFFFC000  }
0x15: {  	[hbm4b:s14+s3] =	stream.linear.scatter [tilespmem:s7], [sflag:$0x2], $0x4000, $0x38;
	[tilespmem:$0x10200] =	vst v63  }
0x16: {  	_ =	swait.ge [sflag:s13], $0x4000  }
0x17: {  	[sflag:s13] =	ssyncset.done $0x0  }
0x18: {  	s15 =	sadd.s32 $0x1800, s17;
	[sflag:s13] =	ssyncadd.s32 $0xFFFFC000  }
0x19: {  	[hbm4b:s15+s3] =	stream.linear.scatter [tilespmem:s8], [sflag:$0x2], $0x4000, $0x38;
	[tilespmem:$0x10200] =	vst v63  }
0x1a: {  	_ =	swait.ge [sflag:s13], $0x4000  }
0x1b: {  	[sflag:s13] =	ssyncset.done $0x0  }
0x1c: {  	s16 =	sadd.s32 $0x2000, s17;
	[sflag:s13] =	ssyncadd.s32 $0xFFFFC000  }
0x1d: {  	[hbm4b:s16+s3] =	stream.linear.scatter [tilespmem:s10], [sflag:$0x2], $0x4000, $0x38;
	[tilespmem:$0x10200] =	vst v63  }
0x1e: {  	_ =	swait.ge [sflag:s13], $0x4000  }
0x1f: {  	[sflag:s13] =	ssyncset.done $0x0  }
0x20: {  	s18 =	sadd.s32 $0x2800, s17;
	s17 =	simm.s32 $0x2;
	[sflag:s13] =	ssyncadd.s32 $0xFFFFC000  }
0x21: {  	[hbm4b:s18+s3] =	stream.linear.scatter [tilespmem:s12], [sflag:$0x2], $0x4000, $0x38;
	[tilespmem:$0x10200] =	vst v63  }
0x22: {  	_ =	swait.ge [sflag:s17], $0x4000  }
0x23: {  	s19 =	ssub.s32 $0x2, s19;
	[sflag:s17] =	ssyncset.done $0x0  }
0x24: {  	s20 =	sshrl.u32 s19, $0x1;
	[sflag:s17] =	ssyncadd.s32 $0xFFFFC000  }
0x25: {  	s19 =	ssub.s32 s19, s20;
	_ =	swait.ge [sflag:s17], $0x4000  }
0x26: {  	s19 =	smax.u32 s19, $0x1;
	[sflag:s17] =	ssyncset.done $0x0  }
0x27: {  	p0 =	sne.s32 s19, $0x1;
	[sflag:s17] =	ssyncadd.s32 $0xFFFFC000  }
.Ltmp0:
0x28: {  	_ =	swait.ge [sflag:s17], $0x4000;
	(pc) =	sbr.rel @!p0 .LBB2_2-.Ltmp0, $4  }
0x29: {  	[sflag:s17] =	ssyncset.done $0x0  }
0x2a: {  	[sflag:s17] =	ssyncadd.s32 $0xFFFFC000  }
0x2b: {  	_ =	swait.ge [sflag:s17], $0x4000  }
0x2c: {  	s19 =	sadd.s32 $0xFFFFFFFF, s19;
	[sflag:s17] =	ssyncset.done $0x0  }
.LBB2_1:
0x2d: {  	p0 =	sne.s32 s19, $0x1;
	s19 =	sadd.s32 $0xFFFFFFFF, s19;
	[sflag:s17] =	ssyncadd.s32 $0xFFFFC000  }
0x2e: {  	[tilespmem:s3], [sflag:$0x3] =	stream.linear.gather [hbm4b:s4+s3], $0x200, $0x38;
	[tilespmem:$0x10200] =	vst v63  }
0x2f: {  	_ =	swait.ge [sflag:s5], $0x200  }
0x30: {  	[sflag:s5] =	ssyncset.done $0x0  }
0x31: {  	[sflag:s5] =	ssyncadd.s32 $0xFFFFFE00  }
0x32: {  	[tilespmem:s7], [sflag:$0x1] =	stream.indirect.gather [hbm4b:s1+s6], $0x80, s3, s6, $0xb8;
	[tilespmem:$0x10200] =	vst v63  }
0x33: {  	_ = 	snop  }
0x34: {  	[tilespmem:s8], [sflag:$0x1] =	stream.indirect.gather [hbm4b:s1+s6], $0x80, s6, s6, $0xb8;
	[tilespmem:$0x10200] =	vst v63  }
0x35: {  	_ = 	snop  }
0x36: {  	[tilespmem:s10], [sflag:$0x1] =	stream.indirect.gather [hbm4b:s1+s6], $0x80, s9, s6, $0xb8;
	[tilespmem:$0x10200] =	vst v63  }
0x37: {  	_ = 	snop  }
0x38: {  	[tilespmem:s12], [sflag:$0x1] =	stream.indirect.gather [hbm4b:s1+s6], $0x80, s11, s6, $0xb8;
	[tilespmem:$0x10200] =	vst v63  }
0x39: {  	_ =	swait.ge [sflag:s13], $0x4000  }
0x3a: {  	[sflag:s13] =	ssyncset.done $0x0  }
0x3b: {  	[sflag:s13] =	ssyncadd.s32 $0xFFFFC000  }
0x3c: {  	[hbm4b:s14+s3] =	stream.linear.scatter [tilespmem:s7], [sflag:$0x2], $0x4000, $0x38;
	[tilespmem:$0x10200] =	vst v63  }
0x3d: {  	_ =	swait.ge [sflag:s13], $0x4000  }
0x3e: {  	[sflag:s13] =	ssyncset.done $0x0  }
0x3f: {  	[sflag:s13] =	ssyncadd.s32 $0xFFFFC000  }
0x40: {  	[hbm4b:s15+s3] =	stream.linear.scatter [tilespmem:s8], [sflag:$0x2], $0x4000, $0x38;
	[tilespmem:$0x10200] =	vst v63  }
0x41: {  	_ =	swait.ge [sflag:s13], $0x4000  }
0x42: {  	[sflag:s13] =	ssyncset.done $0x0  }
0x43: {  	[sflag:s13] =	ssyncadd.s32 $0xFFFFC000  }
0x44: {  	[hbm4b:s16+s3] =	stream.linear.scatter [tilespmem:s10], [sflag:$0x2], $0x4000, $0x38;
	[tilespmem:$0x10200] =	vst v63  }
0x45: {  	_ =	swait.ge [sflag:s13], $0x4000  }
0x46: {  	[sflag:s13] =	ssyncset.done $0x0  }
0x47: {  	[sflag:s13] =	ssyncadd.s32 $0xFFFFC000  }
0x48: {  	[hbm4b:s18+s3] =	stream.linear.scatter [tilespmem:s12], [sflag:$0x2], $0x4000, $0x38;
	[tilespmem:$0x10200] =	vst v63  }
0x49: {  	_ =	swait.ge [sflag:s17], $0x4000  }
0x4a: {  	[sflag:s17] =	ssyncset.done $0x0  }
0x4b: {  	[sflag:s17] =	ssyncadd.s32 $0xFFFFC000  }
0x4c: {  	_ =	swait.ge [sflag:s17], $0x4000  }
0x4d: {  	[sflag:s17] =	ssyncset.done $0x0  }
0x4e: {  	[sflag:s17] =	ssyncadd.s32 $0xFFFFC000  }
.Ltmp1:
0x4f: {  	_ =	swait.ge [sflag:s17], $0x4000;
	(pc) =	sbr.rel @p0 .LBB2_1-.Ltmp1, $4  }
0x50: {  	[sflag:s17] =	ssyncset.done $0x0  }
0x51: {  	[sflag:s17] =	ssyncadd.s32 $0xFFFFC000  }
0x52: {  	_ =	swait.ge [sflag:s17], $0x4000  }
0x53: {  	[sflag:s17] =	ssyncset.done $0x0  }
.LBB2_2:
0x54: {  	[sflag:s17] =	ssyncadd.s32 $0xFFFFC000  }
0x55: {  	_ =	sfence.sel $0x180000  }
0x56: {  	[bflag:$0x0] =	sbarrier.arrive $0xFFFF  }
0x57: {  	p0 =	sne.s32 s0, $0x0;
	_ =	strace $0x90000047  }
0x58: {  	s0 =	sadd.s32 @!p0 $0x100000, s2;
	[bflag:$0x2] =	sbarrier.arrive $0xFFFF  }
0x59: {  	[sflag:s0] =	ssyncadd.tile.s32 @!p0 $0x1;
	_ =	shalt  }
.Lfunc_end2:
_tile_overlayer_lowered:
.L_overlay_start_2:
0x5a: {  	(tag) =	ssettag $0x2  }
0x5b: {  	s0 =	rddreg [dreg:$0x0];
	s2 =	stileid.u32  }
0x5c: {  	s1 =	rddreg [dreg:$0x1];
	p0 =	sne.s32 s2, $0x0  }
0x5d: {  	s3 =	rddreg [dreg:$0x2];
	[bflag:$0x3] =	sbarrier.arrive $0xFFFF;
	s2 =	simm.s32 @!p0 $0x1C03  }
0x5e: {  	[timem:s3], [sflag:s2] =	dma.local @!p0 [hbm:s0], s1  }
0x5f: {  	s0 =	simm.s32 @!p0 $0x3  }
0x60: {  	_ =	swait.ge @!p0 [sflag:s0], s1  }
0x61: {  	s1 =	ssub.s32 @!p0 $0x0, s1;
	[sflag:s0] =	ssyncset.done @!p0 $0x0  }
0x62: {  	[sflag:s0] =	ssyncadd.s32 @!p0 s1  }
0x63: {  	[bflag:$0x3] =	sbarrier.arrive $0xFFFF  }
0x64: {  	_ =	shalt  }

</sc_bundles>
